<compile_context>
chip_gen: v7x
topology: tpu7x:2x2x1
jax: 0.10.2.dev20260603
libtpu: 0.0.44.dev20260713+nightly
codegen_flags: <defaults>
</compile_context>

<pallas_src>
import dataclasses

import jax
import jax.numpy as jnp
from jax.experimental import pallas as pl
from jax.experimental.pallas import tpu as pltpu
from jax.experimental.pallas import tpu_sc as plsc

V = 100000
N = 2048
PAD = 0
SMOOTH = 0.1
CONF = 1.0 - SMOOTH
EPS = SMOOTH / (V - 2)

VC = 2000
NV = V // VC

NW = 32
BPW = N // NW
R = V * N // 128


def _sc_gather(tab_ref, tgt_ref, out_ref, idx_ref, rows_ref, outv_ref, sem):
    c = jax.lax.axis_index("c")
    s = jax.lax.axis_index("s")
    w = s * 2 + c
    base = w * BPW
    pltpu.sync_copy(tgt_ref.at[pl.ds(base, BPW)], idx_ref)
    rowoff = (w // 2) * 8
    for q in range(BPW // 16):
        t16 = idx_ref[pl.ds(q * 16, 16)]
        idx_ref[pl.ds(q * 16, 16)] = (t16 >> 3) * 128 + (t16 & 7) + rowoff
    pltpu.async_copy(tab_ref.at[idx_ref], rows_ref, sem).wait()
    lanebase = (w % 2) * 64
    iota = jax.lax.iota(jnp.int32, 16)
    for q in range(BPW // 16):
        g = plsc.load_gather(rows_ref,
                             [q * 16 + iota, lanebase + q * 16 + iota])
        outv_ref[pl.ds(q * 16, 16)] = g
    pltpu.sync_copy(outv_ref, out_ref.at[pl.ds(base, BPW)])


def _ls_kernel(t_ref, xt_ref, xa_ref, out_ref, l_ref, s_ref, x0_ref):
    j = pl.program_id(0)
    t = t_ref[...]

    @pl.when(j == 0)
    def _init():
        l_ref[...] = jnp.zeros_like(l_ref)
        s_ref[...] = jnp.zeros_like(s_ref)
        x0_ref[...] = xa_ref[0:1, :]

    def body(k, c):
        al, asum = c
        xa = xa_ref[pl.ds(k * 16, 8), :]
        xb = xa_ref[pl.ds(k * 16 + 8, 8), :]
        al = al + jnp.exp(xa) + jnp.exp(xb)
        asum = asum + xa + xb
        return al, asum

    z8 = jnp.zeros((8, N), jnp.float32)
    al, asum = jax.lax.fori_loop(0, VC // 16, body, (z8, z8))
    l_ref[...] += jnp.sum(al, axis=0, keepdims=True)
    s_ref[...] += jnp.sum(asum, axis=0, keepdims=True)

    @pl.when(j == NV - 1)
    def _fin():
        z = jnp.log(l_ref[...])
        lp0 = x0_ref[...] - z
        lpt = xt_ref[...] - z
        s_all = s_ref[...] - V * z
        row_loss = -(EPS * (s_all - lp0 - lpt) + CONF * lpt)
        nonpad = t != PAD
        loss_sum = jnp.sum(jnp.where(nonpad, row_loss, 0.0), keepdims=True)
        cnt = jnp.sum(nonpad.astype(jnp.float32), keepdims=True)
        out_ref[...] = loss_sum / jnp.maximum(cnt, 1.0)


def kernel(logits, target):
    xT = logits.reshape(N, V).T
    tab = (xT.reshape(V // 8, 8, N // 128, 128)
             .transpose(0, 2, 1, 3)
             .reshape(R, 128))
    t1d = target.reshape(N).astype(jnp.int32)
    sc_params = pltpu.CompilerParams()
    if "needs_layout_passes" in pltpu.CompilerParams.__dataclass_fields__:
        sc_params = dataclasses.replace(sc_params, needs_layout_passes=False)
    xt_sc = pl.kernel(
        _sc_gather,
        out_type=jax.ShapeDtypeStruct((N,), jnp.float32),
        mesh=plsc.VectorSubcoreMesh(core_axis_name="c", subcore_axis_name="s"),
        compiler_params=sc_params,
        scratch_types=[
            pltpu.VMEM((BPW,), jnp.int32),
            pltpu.VMEM((BPW, 128), jnp.float32),
            pltpu.VMEM((BPW,), jnp.float32),
            pltpu.SemaphoreType.DMA,
        ],
    )(tab, t1d)
    out = pl.pallas_call(
        _ls_kernel,
        grid=(NV,),
        in_specs=[
            pl.BlockSpec((1, N), lambda j: (0, 0)),
            pl.BlockSpec((1, N), lambda j: (0, 0)),
            pl.BlockSpec((VC, N), lambda j: (j, 0)),
        ],
        out_specs=pl.BlockSpec((1, 1), lambda j: (0, 0)),
        out_shape=jax.ShapeDtypeStruct((1, 1), jnp.float32),
        scratch_shapes=[pltpu.VMEM((1, N), jnp.float32) for _ in range(3)],
        compiler_params=pltpu.CompilerParams(
            dimension_semantics=("arbitrary",),
        ),
    )(t1d.reshape(1, N), xt_sc.reshape(1, N), xT)
    return out[0, 0]

# --- scband reference (transcript-rebuilt; emitter-appended) ---
"""Pipeline reference for scband-label-smoothing-loss-82368882803221 (READ-ONLY COPY).

The authoritative reference and input builder live on the scoring server;
editing this copy changes nothing except your own understanding.
"""

import jax, jax.numpy as jnp
import numpy as np

VOCAB = 100000
PAD_IDX = 0
SMOOTHING = 0.1
CONFIDENCE = 1.0 - SMOOTHING


def setup_inputs(seed: int = 0) -> dict:
    key = jax.random.key(seed)
    k1, k2 = jax.random.split(key)
    logits = jax.random.normal(k1, (2048, VOCAB), dtype=jnp.float32)
    target = jax.random.randint(k2, (2048,), 0, VOCAB, dtype=jnp.int64)
    return {"logits": logits, "target": target}


def reference(logits, target):
    logits = logits.reshape(-1, VOCAB)
    target = target.reshape(-1)
    n = logits.shape[0]
    # smooth_dist built under no_grad in torch -> constant w.r.t. logits
    smooth_dist = jnp.full((n, VOCAB), SMOOTHING / (VOCAB - 2), dtype=logits.dtype)
    smooth_dist = smooth_dist.at[jnp.arange(n), target].set(CONFIDENCE)
    smooth_dist = smooth_dist.at[:, PAD_IDX].set(0.0)
    pad_mask = target == PAD_IDX
    smooth_dist = jnp.where(pad_mask[:, None], 0.0, smooth_dist)
    log_prob = jax.nn.log_softmax(logits, axis=-1)
    loss = -(smooth_dist * log_prob).sum(axis=-1)
    non_pad = (~pad_mask).sum()
    return loss.sum() / jnp.maximum(non_pad, 1).astype(loss.dtype)

if __name__ == "__main__":
    import jax
    _d = setup_inputs()
    print(jax.jit(kernel)(*tuple(_d.values())))

</pallas_src>

<mosaic_0001>
#map = affine_map<(d0, d1) -> (0, 0)>
#map1 = affine_map<(d0, d1) -> (0)>
module attributes {stable_mosaic.version = 14 : i64} {
  func.func @_sc_gather(%arg0: i32, %arg1: i32, %arg2: memref<1600000x128xf32, #tpu.memory_space<hbm>>, %arg3: memref<2048xi32, #tpu.memory_space<hbm>>, %arg4: memref<2048xf32, #tpu.memory_space<hbm>>, %arg5: memref<64xi32, #tpu.memory_space<vmem>>, %arg6: memref<64x128xf32, #tpu.memory_space<vmem>>, %arg7: memref<64xf32, #tpu.memory_space<vmem>>, %arg8: memref<!tpu.dma_semaphore, #tpu.memory_space<semaphore_mem>>) attributes {dimension_semantics = [#tpu.dimension_semantics<core_parallel>, #tpu.dimension_semantics<subcore_parallel>], iteration_bounds = array<i64: 2, 16>, scalar_prefetch = 0 : i64, scratch_operands = 4 : i64, tpu.core_type = #tpu.core_type<sc_vector_subcore>, window_params = [{transform_indices = #map}, {transform_indices = #map1}, {transform_indices = #map1}]} {
    %mul3A = arith.constant 2 : i32
    %mul3A_0 = arith.muli %arg1, %mul3A : i32
    %add3A = arith.addi %mul3A_0, %arg0 : i32
    %mul3A_1 = arith.constant 64 : i32
    %mul3A_2 = arith.muli %add3A, %mul3A_1 : i32
    "tpu.region"() ({
      %run_scoped3A = tpu.sem_alloc : memref<!tpu.dma_semaphore, #tpu.memory_space<semaphore_mem>>
      %dma_start3A_141 = tpu.memref_slice %arg3[%mul3A_2] : memref<2048xi32, #tpu.memory_space<hbm>> -> memref<64xi32, #tpu.memory_space<hbm>>
      %dma_start3A_142 = tpu.memref_slice %arg3[%mul3A_2] : memref<2048xi32, #tpu.memory_space<hbm>> -> memref<64xi32, #tpu.memory_space<hbm>>
      tpu.enqueue_dma source(%dma_start3A_142 : memref<64xi32, #tpu.memory_space<hbm>>) target(%arg5 : memref<64xi32, #tpu.memory_space<vmem>>) target_semaphore(%run_scoped3A : memref<!tpu.dma_semaphore, #tpu.memory_space<semaphore_mem>>)
      %dma_wait3A_143 = tpu.memref_slice %arg3[%mul3A_2] : memref<2048xi32, #tpu.memory_space<hbm>> -> memref<64xi32, #tpu.memory_space<hbm>>
      %dma_wait3A_144 = tpu.memref_slice %arg3[%mul3A_2] : memref<2048xi32, #tpu.memory_space<hbm>> -> memref<64xi32, #tpu.memory_space<hbm>>
      tpu.wait_dma2 semaphore(%run_scoped3A : memref<!tpu.dma_semaphore, #tpu.memory_space<semaphore_mem>>) src(%dma_wait3A_144 : memref<64xi32, #tpu.memory_space<hbm>>) dst(%arg5 : memref<64xi32, #tpu.memory_space<vmem>>)
      tpu.yield
    }) : () -> ()
    %jit3A = arith.constant 2 : i32
    %div3A = arith.divsi %add3A, %jit3A : i32
    %sign3A = arith.constant 0 : i32
    %sign3A_3 = arith.cmpi sgt, %add3A, %sign3A : i32
    %sign3A_4 = arith.extui %sign3A_3 : i1 to i32
    %sign3A_5 = arith.constant 0 : i32
    %sign3A_6 = arith.cmpi slt, %add3A, %sign3A_5 : i32
    %sign3A_7 = arith.extui %sign3A_6 : i1 to i32
    %sign3A_8 = arith.subi %sign3A_4, %sign3A_7 : i32
    %sign3A_9 = arith.constant 0 : i32
    %sign3A_10 = arith.cmpi sgt, %jit3A, %sign3A_9 : i32
    %sign3A_11 = arith.extui %sign3A_10 : i1 to i32
    %sign3A_12 = arith.constant 0 : i32
    %sign3A_13 = arith.cmpi slt, %jit3A, %sign3A_12 : i32
    %sign3A_14 = arith.extui %sign3A_13 : i1 to i32
    %sign3A_15 = arith.subi %sign3A_11, %sign3A_14 : i32
    %ne3A = arith.cmpi ne, %sign3A_8, %sign3A_15 : i32
    %rem3A = arith.remsi %add3A, %jit3A : i32
    %ne3A_16 = arith.constant 0 : i32
    %ne3A_17 = arith.cmpi ne, %rem3A, %ne3A_16 : i32
    %and3A = arith.andi %ne3A, %ne3A_17 : i1
    %sub3A = arith.constant 1 : i32
    %sub3A_18 = arith.subi %div3A, %sub3A : i32
    %select_n3A = arith.select %and3A, %sub3A_18, %div3A : i32
    %mul3A_19 = arith.constant 8 : i32
    %mul3A_20 = arith.muli %select_n3A, %mul3A_19 : i32
    %get3A = arith.constant 0 : index
    %get3A_21 = tpu.vector_load %arg5[%get3A] {strides = array<i32>} : memref<64xi32, #tpu.memory_space<vmem>>, vector<16xi32>,
    %shift_right_arithmetic3A = arith.constant 3 : i32
    %shift_right_arithmetic3A_22 = vector.broadcast %shift_right_arithmetic3A : i32 to vector<16xi32>
    %shift_right_arithmetic3A_23 = arith.shrsi %get3A_21, %shift_right_arithmetic3A_22 : vector<16xi32>
    %mul3A_24 = arith.constant 128 : i32
    %mul3A_25 = vector.broadcast %mul3A_24 : i32 to vector<16xi32>
    %mul3A_26 = arith.muli %shift_right_arithmetic3A_23, %mul3A_25 : vector<16xi32>
    %and3A_27 = arith.constant 7 : i32
    %and3A_28 = vector.broadcast %and3A_27 : i32 to vector<16xi32>
    %and3A_29 = arith.andi %get3A_21, %and3A_28 : vector<16xi32>
    %add3A_30 = arith.addi %mul3A_26, %and3A_29 : vector<16xi32>
    %add3A_31 = vector.broadcast %mul3A_20 : i32 to vector<16xi32>
    %add3A_32 = arith.addi %add3A_30, %add3A_31 : vector<16xi32>
    %swap3A = arith.constant 0 : index
    %swap3A_33 = tpu.vector_load %arg5[%swap3A] {strides = array<i32>} : memref<64xi32, #tpu.memory_space<vmem>>, vector<16xi32>,
    tpu.vector_store %arg5[%swap3A], %add3A_32 {strides = array<i32>} : memref<64xi32, #tpu.memory_space<vmem>>, vector<16xi32>,
    %get3A_34 = arith.constant 16 : index
    %get3A_35 = tpu.vector_load %arg5[%get3A_34] {strides = array<i32>} : memref<64xi32, #tpu.memory_space<vmem>>, vector<16xi32>,
    %shift_right_arithmetic3A_36 = arith.constant 3 : i32
    %shift_right_arithmetic3A_37 = vector.broadcast %shift_right_arithmetic3A_36 : i32 to vector<16xi32>
    %shift_right_arithmetic3A_38 = arith.shrsi %get3A_35, %shift_right_arithmetic3A_37 : vector<16xi32>
    %mul3A_39 = arith.constant 128 : i32
    %mul3A_40 = vector.broadcast %mul3A_39 : i32 to vector<16xi32>
    %mul3A_41 = arith.muli %shift_right_arithmetic3A_38, %mul3A_40 : vector<16xi32>
    %and3A_42 = arith.constant 7 : i32
    %and3A_43 = vector.broadcast %and3A_42 : i32 to vector<16xi32>
    %and3A_44 = arith.andi %get3A_35, %and3A_43 : vector<16xi32>
    %add3A_45 = arith.addi %mul3A_41, %and3A_44 : vector<16xi32>
    %add3A_46 = vector.broadcast %mul3A_20 : i32 to vector<16xi32>
    %add3A_47 = arith.addi %add3A_45, %add3A_46 : vector<16xi32>
    %swap3A_48 = arith.constant 16 : index
    %swap3A_49 = tpu.vector_load %arg5[%swap3A_48] {strides = array<i32>} : memref<64xi32, #tpu.memory_space<vmem>>, vector<16xi32>,
    tpu.vector_store %arg5[%swap3A_48], %add3A_47 {strides = array<i32>} : memref<64xi32, #tpu.memory_space<vmem>>, vector<16xi32>,
    %get3A_50 = arith.constant 32 : index
    %get3A_51 = tpu.vector_load %arg5[%get3A_50] {strides = array<i32>} : memref<64xi32, #tpu.memory_space<vmem>>, vector<16xi32>,
    %shift_right_arithmetic3A_52 = arith.constant 3 : i32
    %shift_right_arithmetic3A_53 = vector.broadcast %shift_right_arithmetic3A_52 : i32 to vector<16xi32>
    %shift_right_arithmetic3A_54 = arith.shrsi %get3A_51, %shift_right_arithmetic3A_53 : vector<16xi32>
    %mul3A_55 = arith.constant 128 : i32
    %mul3A_56 = vector.broadcast %mul3A_55 : i32 to vector<16xi32>
    %mul3A_57 = arith.muli %shift_right_arithmetic3A_54, %mul3A_56 : vector<16xi32>
    %and3A_58 = arith.constant 7 : i32
    %and3A_59 = vector.broadcast %and3A_58 : i32 to vector<16xi32>
    %and3A_60 = arith.andi %get3A_51, %and3A_59 : vector<16xi32>
    %add3A_61 = arith.addi %mul3A_57, %and3A_60 : vector<16xi32>
    %add3A_62 = vector.broadcast %mul3A_20 : i32 to vector<16xi32>
    %add3A_63 = arith.addi %add3A_61, %add3A_62 : vector<16xi32>
    %swap3A_64 = arith.constant 32 : index
    %swap3A_65 = tpu.vector_load %arg5[%swap3A_64] {strides = array<i32>} : memref<64xi32, #tpu.memory_space<vmem>>, vector<16xi32>,
    tpu.vector_store %arg5[%swap3A_64], %add3A_63 {strides = array<i32>} : memref<64xi32, #tpu.memory_space<vmem>>, vector<16xi32>,
    %get3A_66 = arith.constant 48 : index
    %get3A_67 = tpu.vector_load %arg5[%get3A_66] {strides = array<i32>} : memref<64xi32, #tpu.memory_space<vmem>>, vector<16xi32>,
    %shift_right_arithmetic3A_68 = arith.constant 3 : i32
    %shift_right_arithmetic3A_69 = vector.broadcast %shift_right_arithmetic3A_68 : i32 to vector<16xi32>
    %shift_right_arithmetic3A_70 = arith.shrsi %get3A_67, %shift_right_arithmetic3A_69 : vector<16xi32>
    %mul3A_71 = arith.constant 128 : i32
    %mul3A_72 = vector.broadcast %mul3A_71 : i32 to vector<16xi32>
    %mul3A_73 = arith.muli %shift_right_arithmetic3A_70, %mul3A_72 : vector<16xi32>
    %and3A_74 = arith.constant 7 : i32
    %and3A_75 = vector.broadcast %and3A_74 : i32 to vector<16xi32>
    %and3A_76 = arith.andi %get3A_67, %and3A_75 : vector<16xi32>
    %add3A_77 = arith.addi %mul3A_73, %and3A_76 : vector<16xi32>
    %add3A_78 = vector.broadcast %mul3A_20 : i32 to vector<16xi32>
    %add3A_79 = arith.addi %add3A_77, %add3A_78 : vector<16xi32>
    %swap3A_80 = arith.constant 48 : index
    %swap3A_81 = tpu.vector_load %arg5[%swap3A_80] {strides = array<i32>} : memref<64xi32, #tpu.memory_space<vmem>>, vector<16xi32>,
    tpu.vector_store %arg5[%swap3A_80], %add3A_79 {strides = array<i32>} : memref<64xi32, #tpu.memory_space<vmem>>, vector<16xi32>,
    %dma_start3A = arith.constant 0 : i32
    %dma_start3A_82 = arith.constant 0 : i32
    %dma_start3A_83 = tpu.memref_slice %arg2[%dma_start3A, %dma_start3A_82] : memref<1600000x128xf32, #tpu.memory_space<hbm>> -> memref<1600000x128xf32, #tpu.memory_space<hbm>>
    tpu.enqueue_indirect_dma source(%dma_start3A_83 : memref<1600000x128xf32, #tpu.memory_space<hbm>>) target(%arg6 : memref<64x128xf32, #tpu.memory_space<vmem>>) offsets(%arg5 : memref<64xi32, #tpu.memory_space<vmem>>) semaphore(%arg8 : memref<!tpu.dma_semaphore, #tpu.memory_space<semaphore_mem>>)
    %dma_wait3A = arith.constant 0 : i32
    %dma_wait3A_84 = arith.constant 0 : i32
    %dma_wait3A_85 = tpu.memref_slice %arg2[%dma_wait3A, %dma_wait3A_84] : memref<1600000x128xf32, #tpu.memory_space<hbm>> -> memref<1600000x128xf32, #tpu.memory_space<hbm>>
    tpu.wait_indirect_dma semaphore(%arg8 : memref<!tpu.dma_semaphore, #tpu.memory_space<semaphore_mem>>) src(%dma_wait3A_85 : memref<1600000x128xf32, #tpu.memory_space<hbm>>) dst(%arg6 : memref<64x128xf32, #tpu.memory_space<vmem>>)
    %jit3A_86 = arith.constant 2 : i32
    %eq3A = arith.constant 0 : i32
    %eq3A_87 = arith.cmpi eq, %jit3A_86, %eq3A : i32
    %jit3A_88 = arith.constant 1 : i32
    %select_n3A_89 = arith.select %eq3A_87, %jit3A_88, %jit3A_86 : i32
    %rem3A_90 = arith.remsi %add3A, %select_n3A_89 : i32
    %ne3A_91 = arith.constant 0 : i32
    %ne3A_92 = arith.cmpi ne, %rem3A_90, %ne3A_91 : i32
    %lt3A = arith.constant 0 : i32
    %lt3A_93 = arith.cmpi slt, %rem3A_90, %lt3A : i32
    %lt3A_94 = arith.constant 0 : i32
    %lt3A_95 = arith.cmpi slt, %select_n3A_89, %lt3A_94 : i32
    %ne3A_96 = arith.xori %lt3A_93, %lt3A_95 : i1
    %and3A_97 = arith.andi %ne3A_96, %ne3A_92 : i1
    %add3A_98 = arith.addi %rem3A_90, %select_n3A_89 : i32
    %select_n3A_99 = arith.select %and3A_97, %add3A_98, %rem3A_90 : i32
    %mul3A_100 = arith.constant 64 : i32
    %mul3A_101 = arith.muli %select_n3A_99, %mul3A_100 : i32
    %iota3A = tpu.iota {dimensions = array<i32: 0>} : vector<16xi32>
    %add3A_102 = arith.constant 0 : i32
    %add3A_103 = vector.broadcast %add3A_102 : i32 to vector<16xi32>
    %add3A_104 = arith.addi %add3A_103, %iota3A : vector<16xi32>
    %add3A_105 = arith.constant 0 : i32
    %add3A_106 = arith.addi %mul3A_101, %add3A_105 : i32
    %add3A_107 = vector.broadcast %add3A_106 : i32 to vector<16xi32>
    %add3A_108 = arith.addi %add3A_107, %iota3A : vector<16xi32>
    %gather3A = tpu.vector_load_idx %arg6[%add3A_104, %add3A_108] : memref<64x128xf32, #tpu.memory_space<vmem>>[vector<16xi32>, vector<16xi32>], vector<16xf32>,
    %swap3A_109 = arith.constant 0 : index
    %swap3A_110 = tpu.vector_load %arg7[%swap3A_109] {strides = array<i32>} : memref<64xf32, #tpu.memory_space<vmem>>, vector<16xf32>,
    tpu.vector_store %arg7[%swap3A_109], %gather3A {strides = array<i32>} : memref<64xf32, #tpu.memory_space<vmem>>, vector<16xf32>,
    %add3A_111 = arith.constant 16 : i32
    %add3A_112 = vector.broadcast %add3A_111 : i32 to vector<16xi32>
    %add3A_113 = arith.addi %add3A_112, %iota3A : vector<16xi32>
    %add3A_114 = arith.constant 16 : i32
    %add3A_115 = arith.addi %mul3A_101, %add3A_114 : i32
    %add3A_116 = vector.broadcast %add3A_115 : i32 to vector<16xi32>
    %add3A_117 = arith.addi %add3A_116, %iota3A : vector<16xi32>
    %gather3A_118 = tpu.vector_load_idx %arg6[%add3A_113, %add3A_117] : memref<64x128xf32, #tpu.memory_space<vmem>>[vector<16xi32>, vector<16xi32>], vector<16xf32>,
    %swap3A_119 = arith.constant 16 : index
    %swap3A_120 = tpu.vector_load %arg7[%swap3A_119] {strides = array<i32>} : memref<64xf32, #tpu.memory_space<vmem>>, vector<16xf32>,
    tpu.vector_store %arg7[%swap3A_119], %gather3A_118 {strides = array<i32>} : memref<64xf32, #tpu.memory_space<vmem>>, vector<16xf32>,
    %add3A_121 = arith.constant 32 : i32
    %add3A_122 = vector.broadcast %add3A_121 : i32 to vector<16xi32>
    %add3A_123 = arith.addi %add3A_122, %iota3A : vector<16xi32>
    %add3A_124 = arith.constant 32 : i32
    %add3A_125 = arith.addi %mul3A_101, %add3A_124 : i32
    %add3A_126 = vector.broadcast %add3A_125 : i32 to vector<16xi32>
    %add3A_127 = arith.addi %add3A_126, %iota3A : vector<16xi32>
    %gather3A_128 = tpu.vector_load_idx %arg6[%add3A_123, %add3A_127] : memref<64x128xf32, #tpu.memory_space<vmem>>[vector<16xi32>, vector<16xi32>], vector<16xf32>,
    %swap3A_129 = arith.constant 32 : index
    %swap3A_130 = tpu.vector_load %arg7[%swap3A_129] {strides = array<i32>} : memref<64xf32, #tpu.memory_space<vmem>>, vector<16xf32>,
    tpu.vector_store %arg7[%swap3A_129], %gather3A_128 {strides = array<i32>} : memref<64xf32, #tpu.memory_space<vmem>>, vector<16xf32>,
    %add3A_131 = arith.constant 48 : i32
    %add3A_132 = vector.broadcast %add3A_131 : i32 to vector<16xi32>
    %add3A_133 = arith.addi %add3A_132, %iota3A : vector<16xi32>
    %add3A_134 = arith.constant 48 : i32
    %add3A_135 = arith.addi %mul3A_101, %add3A_134 : i32
    %add3A_136 = vector.broadcast %add3A_135 : i32 to vector<16xi32>
    %add3A_137 = arith.addi %add3A_136, %iota3A : vector<16xi32>
    %gather3A_138 = tpu.vector_load_idx %arg6[%add3A_133, %add3A_137] : memref<64x128xf32, #tpu.memory_space<vmem>>[vector<16xi32>, vector<16xi32>], vector<16xf32>,
    %swap3A_139 = arith.constant 48 : index
    %swap3A_140 = tpu.vector_load %arg7[%swap3A_139] {strides = array<i32>} : memref<64xf32, #tpu.memory_space<vmem>>, vector<16xf32>,
    tpu.vector_store %arg7[%swap3A_139], %gather3A_138 {strides = array<i32>} : memref<64xf32, #tpu.memory_space<vmem>>, vector<16xf32>,
    "tpu.region"() ({
      %run_scoped3A = tpu.sem_alloc : memref<!tpu.dma_semaphore, #tpu.memory_space<semaphore_mem>>
      %dma_start3A_141 = tpu.memref_slice %arg4[%mul3A_2] : memref<2048xf32, #tpu.memory_space<hbm>> -> memref<64xf32, #tpu.memory_space<hbm>>
      %dma_start3A_142 = tpu.memref_slice %arg4[%mul3A_2] : memref<2048xf32, #tpu.memory_space<hbm>> -> memref<64xf32, #tpu.memory_space<hbm>>
      tpu.enqueue_dma source(%arg7 : memref<64xf32, #tpu.memory_space<vmem>>) target(%dma_start3A_142 : memref<64xf32, #tpu.memory_space<hbm>>) target_semaphore(%run_scoped3A : memref<!tpu.dma_semaphore, #tpu.memory_space<semaphore_mem>>)
      %dma_wait3A_143 = tpu.memref_slice %arg4[%mul3A_2] : memref<2048xf32, #tpu.memory_space<hbm>> -> memref<64xf32, #tpu.memory_space<hbm>>
      %dma_wait3A_144 = tpu.memref_slice %arg4[%mul3A_2] : memref<2048xf32, #tpu.memory_space<hbm>> -> memref<64xf32, #tpu.memory_space<hbm>>
      tpu.wait_dma2 semaphore(%run_scoped3A : memref<!tpu.dma_semaphore, #tpu.memory_space<semaphore_mem>>) src(%arg7 : memref<64xf32, #tpu.memory_space<vmem>>) dst(%dma_wait3A_144 : memref<64xf32, #tpu.memory_space<hbm>>)
      tpu.yield
    }) : () -> ()
    return
  }
}

module attributes {stable_mosaic.version = 14 : i64} {
  func.func @_ls_kernel(%arg0: i32, %arg1: memref<1x2048xi32, #tpu.memory_space<vmem>>, %arg2: memref<1x2048xf32, #tpu.memory_space<vmem>>, %arg3: memref<2000x2048xf32, #tpu.memory_space<vmem>>, %arg4: memref<1x1xf32, #tpu.memory_space<vmem>>, %arg5: memref<1x2048xf32, #tpu.memory_space<vmem>>, %arg6: memref<1x2048xf32, #tpu.memory_space<vmem>>, %arg7: memref<1x2048xf32, #tpu.memory_space<vmem>>) attributes {dimension_semantics = [#tpu.dimension_semantics<arbitrary>], iteration_bounds = array<i64: 50>, scalar_prefetch = 0 : i64, scratch_operands = 3 : i64, tpu.core_type = #tpu.core_type<tc>, window_params = [{pipeline_mode = #tpu.pipeline_mode<synchronous>, transform_indices = @transform_0, window_bounds = array<i64: 1, 2048>}, {pipeline_mode = #tpu.pipeline_mode<synchronous>, transform_indices = @transform_1, window_bounds = array<i64: 1, 2048>}, {transform_indices = @transform_2, window_bounds = array<i64: 2000, 2048>}, {pipeline_mode = #tpu.pipeline_mode<synchronous>, transform_indices = @transform_3, window_bounds = array<i64: 1, 1>}]} {
    %get3A = arith.constant 0 : index
    %get3A_0 = arith.constant 0 : index
    %get3A_1 = vector.load %arg1[%get3A, %get3A_0] : memref<1x2048xi32, #tpu.memory_space<vmem>>, vector<1x2048xi32>
    %eq3A = arith.constant 0 : i32
    %eq3A_2 = arith.cmpi eq, %arg0, %eq3A : i32
    %convert_element_type3A = arith.extui %eq3A_2 : i1 to i32
    %cond3A = arith.constant 0 : i32
    %cond3A_3 = arith.cmpi ne, %convert_element_type3A, %cond3A : i32
    scf.if %cond3A_3 {
      %broadcast_in_dim3A_32 = arith.constant 0.000000e+00 : f32
      %broadcast_in_dim3A_33 = vector.broadcast %broadcast_in_dim3A_32 : f32 to vector<1x2048xf32>
      %swap3A_34 = arith.constant 0 : index
      %swap3A_35 = arith.constant 0 : index
      %swap3A_36 = vector.load %arg5[%swap3A_34, %swap3A_35] : memref<1x2048xf32, #tpu.memory_space<vmem>>, vector<1x2048xf32>
      tpu.vector_store %arg5[%swap3A_34, %swap3A_35], %broadcast_in_dim3A_33 {strides = array<i32>} : memref<1x2048xf32, #tpu.memory_space<vmem>>, vector<1x2048xf32>,
      %broadcast_in_dim3A_37 = arith.constant 0.000000e+00 : f32
      %broadcast_in_dim3A_38 = vector.broadcast %broadcast_in_dim3A_37 : f32 to vector<1x2048xf32>
      %swap3A_39 = arith.constant 0 : index
      %swap3A_40 = arith.constant 0 : index
      %swap3A_41 = vector.load %arg6[%swap3A_39, %swap3A_40] : memref<1x2048xf32, #tpu.memory_space<vmem>>, vector<1x2048xf32>
      tpu.vector_store %arg6[%swap3A_39, %swap3A_40], %broadcast_in_dim3A_38 {strides = array<i32>} : memref<1x2048xf32, #tpu.memory_space<vmem>>, vector<1x2048xf32>,
      %get3A_42 = arith.constant 0 : index
      %get3A_43 = arith.constant 0 : index
      %get3A_44 = vector.load %arg3[%get3A_42, %get3A_43] : memref<2000x2048xf32, #tpu.memory_space<vmem>>, vector<1x2048xf32>
      %swap3A_45 = arith.constant 0 : index
      %swap3A_46 = arith.constant 0 : index
      %swap3A_47 = vector.load %arg7[%swap3A_45, %swap3A_46] : memref<1x2048xf32, #tpu.memory_space<vmem>>, vector<1x2048xf32>
      tpu.vector_store %arg7[%swap3A_45, %swap3A_46], %get3A_44 {strides = array<i32>} : memref<1x2048xf32, #tpu.memory_space<vmem>>, vector<1x2048xf32>,
    } else {
    }
    %broadcast_in_dim3A = arith.constant 0.000000e+00 : f32
    %broadcast_in_dim3A_4 = vector.broadcast %broadcast_in_dim3A : f32 to vector<8x2048xf32>
    %scan3A = arith.constant 0 : i32
    %scan3A_5 = arith.constant 125 : i32
    %scan3A_6 = arith.addi %scan3A, %scan3A_5 : i32
    %scan3A_7 = arith.constant 1 : i32
    %scan3A_8:2 = scf.for %scan3A_32 = %scan3A to %scan3A_6 step %scan3A_7 iter_args(%scan3A_33 = %broadcast_in_dim3A_4, %scan3A_34 = %broadcast_in_dim3A_4) -> (vector<8x2048xf32>, vector<8x2048xf32>)  : i32 {
      %mul3A = arith.constant 16 : i32
      %mul3A_35 = arith.muli %scan3A_32, %mul3A : i32
      %get3A_36 = arith.index_cast %mul3A_35 : i32 to index
      %get3A_37 = arith.constant 0 : index
      %get3A_38 = vector.load %arg3[%get3A_36, %get3A_37] : memref<2000x2048xf32, #tpu.memory_space<vmem>>, vector<8x2048xf32>
      %mul3A_39 = arith.constant 16 : i32
      %mul3A_40 = arith.muli %scan3A_32, %mul3A_39 : i32
      %add3A_41 = arith.constant 8 : i32
      %add3A_42 = arith.addi %mul3A_40, %add3A_41 : i32
      %get3A_43 = arith.index_cast %add3A_42 : i32 to index
      %get3A_44 = arith.constant 0 : index
      %get3A_45 = vector.load %arg3[%get3A_43, %get3A_44] : memref<2000x2048xf32, #tpu.memory_space<vmem>>, vector<8x2048xf32>
      %exp3A = math.exp %get3A_38 : vector<8x2048xf32>
      %add3A_46 = arith.addf %scan3A_33, %exp3A : vector<8x2048xf32>
      %exp3A_47 = math.exp %get3A_45 : vector<8x2048xf32>
      %add3A_48 = arith.addf %add3A_46, %exp3A_47 : vector<8x2048xf32>
      %add3A_49 = arith.addf %scan3A_34, %get3A_38 : vector<8x2048xf32>
      %add3A_50 = arith.addf %add3A_49, %get3A_45 : vector<8x2048xf32>
      scf.yield %add3A_48, %add3A_50 : vector<8x2048xf32>, vector<8x2048xf32>
    }
    %scan3A_9 = arith.constant 125 : i32
    %get3A_10 = arith.constant 0 : index
    %get3A_11 = arith.constant 0 : index
    %get3A_12 = vector.load %arg5[%get3A_10, %get3A_11] : memref<1x2048xf32, #tpu.memory_space<vmem>>, vector<1x2048xf32>
    %reduce_sum3A = arith.constant dense<0.000000e+00> : vector<2048xf32>
    %reduce_sum3A_13 = vector.multi_reduction <add>, %scan3A_8#0, %reduce_sum3A [0] : vector<8x2048xf32> to vector<2048xf32>
    %broadcast_in_dim3A_14 = vector.shape_cast %reduce_sum3A_13 : vector<2048xf32> to vector<1x2048xf32>
    %add3A = arith.addf %get3A_12, %broadcast_in_dim3A_14 : vector<1x2048xf32>
    %swap3A = arith.constant 0 : index
    %swap3A_15 = arith.constant 0 : index
    %swap3A_16 = vector.load %arg5[%swap3A, %swap3A_15] : memref<1x2048xf32, #tpu.memory_space<vmem>>, vector<1x2048xf32>
    tpu.vector_store %arg5[%swap3A, %swap3A_15], %add3A {strides = array<i32>} : memref<1x2048xf32, #tpu.memory_space<vmem>>, vector<1x2048xf32>,
    %get3A_17 = arith.constant 0 : index
    %get3A_18 = arith.constant 0 : index
    %get3A_19 = vector.load %arg6[%get3A_17, %get3A_18] : memref<1x2048xf32, #tpu.memory_space<vmem>>, vector<1x2048xf32>
    %reduce_sum3A_20 = arith.constant dense<0.000000e+00> : vector<2048xf32>
    %reduce_sum3A_21 = vector.multi_reduction <add>, %scan3A_8#1, %reduce_sum3A_20 [0] : vector<8x2048xf32> to vector<2048xf32>
    %broadcast_in_dim3A_22 = vector.shape_cast %reduce_sum3A_21 : vector<2048xf32> to vector<1x2048xf32>
    %add3A_23 = arith.addf %get3A_19, %broadcast_in_dim3A_22 : vector<1x2048xf32>
    %swap3A_24 = arith.constant 0 : index
    %swap3A_25 = arith.constant 0 : index
    %swap3A_26 = vector.load %arg6[%swap3A_24, %swap3A_25] : memref<1x2048xf32, #tpu.memory_space<vmem>>, vector<1x2048xf32>
    tpu.vector_store %arg6[%swap3A_24, %swap3A_25], %add3A_23 {strides = array<i32>} : memref<1x2048xf32, #tpu.memory_space<vmem>>, vector<1x2048xf32>,
    %eq3A_27 = arith.constant 49 : i32
    %eq3A_28 = arith.cmpi eq, %arg0, %eq3A_27 : i32
    %convert_element_type3A_29 = arith.extui %eq3A_28 : i1 to i32
    %cond3A_30 = arith.constant 0 : i32
    %cond3A_31 = arith.cmpi ne, %convert_element_type3A_29, %cond3A_30 : i32
    scf.if %cond3A_31 {
      %get3A_32 = arith.constant 0 : index
      %get3A_33 = arith.constant 0 : index
      %get3A_34 = vector.load %arg5[%get3A_32, %get3A_33] : memref<1x2048xf32, #tpu.memory_space<vmem>>, vector<1x2048xf32>
      %log3A = math.log %get3A_34 : vector<1x2048xf32>
      %get3A_35 = arith.constant 0 : index
      %get3A_36 = arith.constant 0 : index
      %get3A_37 = vector.load %arg7[%get3A_35, %get3A_36] : memref<1x2048xf32, #tpu.memory_space<vmem>>, vector<1x2048xf32>
      %sub3A = arith.subf %get3A_37, %log3A : vector<1x2048xf32>
      %get3A_38 = arith.constant 0 : index
      %get3A_39 = arith.constant 0 : index
      %get3A_40 = vector.load %arg2[%get3A_38, %get3A_39] : memref<1x2048xf32, #tpu.memory_space<vmem>>, vector<1x2048xf32>
      %sub3A_41 = arith.subf %get3A_40, %log3A : vector<1x2048xf32>
      %get3A_42 = arith.constant 0 : index
      %get3A_43 = arith.constant 0 : index
      %get3A_44 = vector.load %arg6[%get3A_42, %get3A_43] : memref<1x2048xf32, #tpu.memory_space<vmem>>, vector<1x2048xf32>
      %mul3A = arith.constant 1.000000e+05 : f32
      %mul3A_45 = vector.broadcast %mul3A : f32 to vector<1x2048xf32>
      %mul3A_46 = arith.mulf %mul3A_45, %log3A : vector<1x2048xf32>
      %sub3A_47 = arith.subf %get3A_44, %mul3A_46 : vector<1x2048xf32>
      %sub3A_48 = arith.subf %sub3A_47, %sub3A : vector<1x2048xf32>
      %sub3A_49 = arith.subf %sub3A_48, %sub3A_41 : vector<1x2048xf32>
      %mul3A_50 = arith.constant 1.000020e-06 : f32
      %mul3A_51 = vector.broadcast %mul3A_50 : f32 to vector<1x2048xf32>
      %mul3A_52 = arith.mulf %mul3A_51, %sub3A_49 : vector<1x2048xf32>
      %mul3A_53 = arith.constant 0.899999976 : f32
      %mul3A_54 = vector.broadcast %mul3A_53 : f32 to vector<1x2048xf32>
      %mul3A_55 = arith.mulf %mul3A_54, %sub3A_41 : vector<1x2048xf32>
      %add3A_56 = arith.addf %mul3A_52, %mul3A_55 : vector<1x2048xf32>
      %neg3A = arith.constant 0.000000e+00 : f32
      %neg3A_57 = vector.broadcast %neg3A : f32 to vector<1x2048xf32>
      %neg3A_58 = arith.subf %neg3A_57, %add3A_56 : vector<1x2048xf32>
      %ne3A = arith.constant 0 : i32
      %ne3A_59 = vector.broadcast %ne3A : i32 to vector<1x2048xi32>
      %ne3A_60 = arith.cmpi ne, %get3A_1, %ne3A_59 : vector<1x2048xi32>
      %jit3A = arith.constant 0.000000e+00 : f32
      %broadcast_in_dim3A_61 = vector.broadcast %jit3A : f32 to vector<1x2048xf32>
      %select_n3A = arith.select %ne3A_60, %neg3A_58, %broadcast_in_dim3A_61 : vector<1x2048xi1>, vector<1x2048xf32>
      %reduce_sum3A_62 = vector.shape_cast %select_n3A : vector<1x2048xf32> to vector<1x1x2048xf32>
      %reduce_sum3A_63 = arith.constant dense<0.000000e+00> : vector<1xf32>
      %reduce_sum3A_64 = vector.multi_reduction <add>, %reduce_sum3A_62, %reduce_sum3A_63 [1, 2] : vector<1x1x2048xf32> to vector<1xf32>
      %reduce_sum3A_65 = vector.shape_cast %reduce_sum3A_64 : vector<1xf32> to vector<1x1x1xf32>
      %reduce_sum3A_66 = vector.extract %reduce_sum3A_65[0, 0, 0] : f32 from vector<1x1x1xf32>
      %broadcast_in_dim3A_67 = vector.broadcast %reduce_sum3A_66 : f32 to vector<1x1xf32>
      %convert_element_type3A_68 = arith.extui %ne3A_60 : vector<1x2048xi1> to vector<1x2048xi32>
      %convert_element_type3A_69 = arith.sitofp %convert_element_type3A_68 : vector<1x2048xi32> to vector<1x2048xf32>
      %reduce_sum3A_70 = vector.shape_cast %convert_element_type3A_69 : vector<1x2048xf32> to vector<1x1x2048xf32>
      %reduce_sum3A_71 = arith.constant dense<0.000000e+00> : vector<1xf32>
      %reduce_sum3A_72 = vector.multi_reduction <add>, %reduce_sum3A_70, %reduce_sum3A_71 [1, 2] : vector<1x1x2048xf32> to vector<1xf32>
      %reduce_sum3A_73 = vector.shape_cast %reduce_sum3A_72 : vector<1xf32> to vector<1x1x1xf32>
      %reduce_sum3A_74 = vector.extract %reduce_sum3A_73[0, 0, 0] : f32 from vector<1x1x1xf32>
      %broadcast_in_dim3A_75 = vector.broadcast %reduce_sum3A_74 : f32 to vector<1x1xf32>
      %max3A = arith.constant 1.000000e+00 : f32
      %max3A_76 = vector.broadcast %max3A : f32 to vector<1x1xf32>
      %max3A_77 = arith.maximumf %broadcast_in_dim3A_75, %max3A_76 : vector<1x1xf32>
      %div3A = arith.divf %broadcast_in_dim3A_67, %max3A_77 : vector<1x1xf32>
      %swap3A_78 = arith.constant 0 : index
      %swap3A_79 = arith.constant 0 : index
      %swap3A_80 = vector.load %arg4[%swap3A_78, %swap3A_79] : memref<1x1xf32, #tpu.memory_space<vmem>>, vector<1x1xf32>
      tpu.vector_store %arg4[%swap3A_78, %swap3A_79], %div3A {strides = array<i32>} : memref<1x1xf32, #tpu.memory_space<vmem>>, vector<1x1xf32>,
    } else {
    }
    return
  }
  func.func @transform_0(%arg0: i32) -> (i32, i32) {
    %c0_i32 = arith.constant 0 : i32
    %c0_i32_0 = arith.constant 0 : i32
    %c0_i32_1 = arith.constant 0 : i32
    return %c0_i32, %c0_i32_0 : i32, i32
  }
  func.func @transform_1(%arg0: i32) -> (i32, i32) {
    %c0_i32 = arith.constant 0 : i32
    %c0_i32_0 = arith.constant 0 : i32
    %c0_i32_1 = arith.constant 0 : i32
    return %c0_i32, %c0_i32_0 : i32, i32
  }
  func.func @transform_2(%arg0: i32) -> (i32, i32) {
    %c0_i32 = arith.constant 0 : i32
    %c0_i32_0 = arith.constant 0 : i32
    return %arg0, %c0_i32 : i32, i32
  }
  func.func @transform_3(%arg0: i32) -> (i32, i32) {
    %c0_i32 = arith.constant 0 : i32
    %c0_i32_0 = arith.constant 0 : i32
    %c0_i32_1 = arith.constant 0 : i32
    return %c0_i32, %c0_i32_0 : i32, i32
  }
}

</mosaic_0001>

<sc_bundles>
// kernel: kernel.4.cloned.1.call-start
scs
__scs_entry_jumppad:
0x0: {  	(pc) =	sbr.rel $0x88, $3  }
0x1: {  	(tag) =	ssettag $0x0;
	lr =	simm.s32 $0x1  }
0x2: {  	[smem:$0x3F9F] =	sst lr;
	_ =	strace $0xD0000000  }
0x3: {  	_ = 	snop  }
0x4: {  	_ = 	snop  }
0x5: {  	_ = 	snop  }
0x6: {  	_ = 	snop  }
0x7: {  	_ = 	snop  }
__scs_overlays_trampoline_lowered:
0x8: {  	[smem:$0x3FAE] =	sst s0  }
0x9: {  	[smem:$0x3FAF] =	sst s1  }
0xa: {  	[smem:$0x3FB0] =	sst s2  }
0xb: {  	[smem:$0x3FB1] =	sst s3  }
0xc: {  	[smem:$0x3FB2] =	sst s4  }
0xd: {  	[smem:$0x3FB3] =	sst s5  }
0xe: {  	[smem:$0x3FB4] =	sst s6  }
0xf: {  	[smem:$0x3FB5] =	sst s7  }
0x10: {  	[smem:$0x3FB6] =	sst s8  }
0x11: {  	[smem:$0x3FB7] =	sst s9;
	s0 =	simm.s32 @!p0 $0x0  }
0x12: {  	s1 =	sld [smem:$0x3F9D];
	s0 =	simm.s32 @p0 $0x1  }
0x13: {  	[smem:$0x3FB8] =	sst s0;
	s0 =	simm.s32 @!p1 $0x0  }
0x14: {  	s2 =	sld [smem:$0x3F9C];
	s0 =	simm.s32 @p1 $0x1  }
0x15: {  	[smem:$0x3FB9] =	sst s0;
	s0 =	simm.s32 @!p2 $0x0  }
0x16: {  	s3 =	sld [smem:$0x3FDB];
	s0 =	simm.s32 @p2 $0x1  }
0x17: {  	s4 =	simm.s32 $0x1BF5;
	[smem:$0x3FBB] =	sst s0  }
0x18: {  	s0 =	sld [smem:$0x3F9E];
	_ =	swait.ge [sflag:s4], $0x0  }
0x19: {  	s7 =	sld [smem:$0x3F9F]  }
0x1a: {  	s8 =	sadd.s32 $0xFFFFE003, lr  }
0x1b: {  	s9 =	sadd.s32 $0xFFFFFEF7, lr;
	s5 =	simm.s32 $0xFFFFFFFF;
	p2 =	slt.u32 s8, $0xFFFFF086  }
0x1c: {  	p1 =	slt.u32 s9, $0xF7A;
	s5 =	simm.s32 @!p2 $0x0  }
0x1d: {  	s5 =	simm.s32 @p1 $0x1;
	p0 =	seq.s32 s7, s2  }
0x1e: {  	s7 =	smul.u32 @!p0 $0xF7A, s2;
	p2 =	seq.s32 @!p0 s5, $0x0  }
0x1f: {  	s9 =	smul.u32 $0xF7A, s1;
	s8 =	simm.s32 @!p0 $0x1BF5;
	p2 =	por !p2, p0  }
0x20: {  	[sflag:s8] =	ssyncset.s32 @!p0 $0xFFFFF086;
	s6 =	sadd.s32 @!p0 s3, s7;
	s7 =	simm.s32 @!p0 $0x108  }
0x21: {  	s3 =	sadd.s32 s3, s9;
	s6 =	sadd.s32 @!p0 $0x88, s6;
	s7 =	simm.s32 @p2 $0x1082  }
0x22: {  	[simem:s7], [sflag:s8] =	dma.local @!p0 [hbm:s6], $0xF7A  }
0x23: {  	s9 =	sor.u32 $0xD0000000, s2;
	s6 =	simm.s32 $0x108;
	_ =	swait.ge @!p0 [sflag:s8], $0x0  }
0x24: {  	s3 =	sadd.s32 $0x88, s3;
	s6 =	simm.s32 @!p1 $0x1082;
	[sflag:s4] =	ssyncset.s32 $0xFFFFF086  }
0x25: {  	[simem:s6], [sflag:s4] =	dma.local [hbm:s3], $0xF7A  }
0x26: {  	[smem:$0x3F9F] =	sst s1;
	(tag) =	ssettag s2;
	_ =	strace s9  }
0x27: {  	s1 =	sld [smem:$0x3FAF]  }
0x28: {  	s2 =	sld [smem:$0x3FB0]  }
0x29: {  	s4 =	sld [smem:$0x3FB2]  }
0x2a: {  	p0 =	seq.s32 s5, $0x0;
	s5 =	sld [smem:$0x3FB3]  }
0x2b: {  	s6 =	sld [smem:$0x3FB4]  }
0x2c: {  	s7 =	sld [smem:$0x3FB5]  }
0x2d: {  	s3 =	simm.s32 $0x108;
	s8 =	sld [smem:$0x3FB6]  }
0x2e: {  	s3 =	simm.s32 @!p0 $0x1082;
	s9 =	sld [smem:$0x3FB7]  }
0x2f: {  	lr =	sadd.s32 s0, s3;
	s0 =	sld [smem:$0x3FAE]  }
0x30: {  	s3 =	sld [smem:$0x3FB1]  }
0x31: {  	[smem:$0x3FBA] =	sst s10  }
0x32: {  	s10 =	sld [smem:$0x3FB8];
	_ =	sdelay $0x3  }
0x33: {  	p0 =	seq.s32 s10, $0x1;
	s10 =	sld [smem:$0x3FBA];
	_ =	sdelay $0x3  }
0x34: {  	[smem:$0x3FBA] =	sst s10  }
0x35: {  	s10 =	sld [smem:$0x3FB9];
	_ =	sdelay $0x3  }
0x36: {  	p1 =	seq.s32 s10, $0x1;
	s10 =	sld [smem:$0x3FBA];
	_ =	sdelay $0x3  }
0x37: {  	[smem:$0x3FBA] =	sst s10  }
0x38: {  	s10 =	sld [smem:$0x3FBB]  }
0x39: {  	_ = 	snop;
	(pc) =	sbr.ind lr, $3  }
0x3a: {  	_ = 	snop  }
0x3b: {  	_ = 	snop  }
0x3c: {  	p2 =	seq.s32 s10, $0x1;
	s10 =	sld [smem:$0x3FBA]  }
0x3d: {  	_ =	shalt  }
0x3e: {  	_ =	shalt  }
0x3f: {  	_ =	shalt  }
0x40: {  	_ =	shalt  }
0x41: {  	_ =	shalt  }
0x42: {  	_ =	shalt  }
0x43: {  	_ =	shalt  }
0x44: {  	_ =	shalt  }
0x45: {  	_ =	shalt  }
0x46: {  	_ =	shalt  }
0x47: {  	_ =	shalt  }
0x48: {  	_ =	shalt  }
0x49: {  	_ =	shalt  }
0x4a: {  	_ =	shalt  }
0x4b: {  	_ =	shalt  }
0x4c: {  	_ =	shalt  }
0x4d: {  	_ =	shalt  }
0x4e: {  	_ =	shalt  }
0x4f: {  	_ =	shalt  }
0x50: {  	_ =	shalt  }
0x51: {  	_ =	shalt  }
0x52: {  	_ =	shalt  }
0x53: {  	_ =	shalt  }
0x54: {  	_ =	shalt  }
0x55: {  	_ =	shalt  }
0x56: {  	_ =	shalt  }
0x57: {  	_ =	shalt  }
0x58: {  	_ =	shalt  }
0x59: {  	_ =	shalt  }
0x5a: {  	_ =	shalt  }
0x5b: {  	_ =	shalt  }
0x5c: {  	_ =	shalt  }
0x5d: {  	_ =	shalt  }
0x5e: {  	_ =	shalt  }
0x5f: {  	_ =	shalt  }
0x60: {  	_ =	shalt  }
0x61: {  	_ =	shalt  }
0x62: {  	_ =	shalt  }
0x63: {  	_ =	shalt  }
0x64: {  	_ =	shalt  }
0x65: {  	_ =	shalt  }
0x66: {  	_ =	shalt  }
0x67: {  	_ =	shalt  }
0x68: {  	_ =	shalt  }
0x69: {  	_ =	shalt  }
0x6a: {  	_ =	shalt  }
0x6b: {  	_ =	shalt  }
0x6c: {  	_ =	shalt  }
0x6d: {  	_ =	shalt  }
0x6e: {  	_ =	shalt  }
0x6f: {  	_ =	shalt  }
0x70: {  	_ =	shalt  }
0x71: {  	_ =	shalt  }
0x72: {  	_ =	shalt  }
0x73: {  	_ =	shalt  }
0x74: {  	_ =	shalt  }
0x75: {  	_ =	shalt  }
0x76: {  	_ =	shalt  }
0x77: {  	_ =	shalt  }
0x78: {  	_ =	shalt  }
0x79: {  	_ =	shalt  }
0x7a: {  	_ =	shalt  }
0x7b: {  	_ =	shalt  }
0x7c: {  	_ =	shalt  }
0x7d: {  	_ =	shalt  }
0x7e: {  	_ =	shalt  }
0x7f: {  	_ =	shalt  }
0x80: {  	_ =	shalt  }
0x81: {  	_ =	shalt  }
0x82: {  	_ =	shalt  }
0x83: {  	_ =	shalt  }
0x84: {  	_ =	shalt  }
0x85: {  	_ =	shalt  }
0x86: {  	_ =	shalt  }
0x87: {  	_ =	shalt  }
.Lfunc_end0:
.L_simem_size_0:
called_computation_lowered:
.L_overlay_start_0:
0x88: {  	s2 =	sld [smem:$0x3FD9]  }
0x89: {  	s3 =	sld [smem:$0x3FFE];
	_ =	sdelay $0x1  }
0x8a: {  	s1 =	srdreg.scid  }
0x8b: {  	s0 =	sand.u32 $0x1, s1  }
0x8c: {  	s17 =	sshll.u32 s0, $0xA;
	s2 =	sadd.s32 s3, s2  }
0x8d: {  	s2 =	sadd.s32 s2, s17  }
0x8e: {  	[smem:$0x3FC6] =	sst s2  }
0x8f: {  	_ = 	snop  }
0x90: {  	s2 =	sld [smem:$0x3FC9]  }
0x91: {  	s18 =	sld [smem:$0x3FC8];
	(tm) =	ssettm $0x1  }
0x92: {  	s4 =	sld [smem:$0x3FFB];
	_ =	sdelay $0x3  }
0x93: {  	_ =	strace s4  }
0x94: {  	s4 =	sld [smem:$0x3FFC];
	_ =	sdelay $0x3  }
0x95: {  	_ =	strace s4  }
0x96: {  	s4 =	sld [smem:$0x3FFD];
	_ =	sdelay $0x3  }
0x97: {  	_ =	strace s4  }
0x98: {  	_ =	strace $0x8FFFFFFF  }
0x99: {  	s19 =	sld [smem:$0x3FDB];
	_ =	sdelay $0x1  }
0x9a: {  	s5 =	simm.s32 $_scs_section_size  }
0x9b: {  	s6 =	simm.s32 $_size__tile_overlayer_lowered;
	s7 =	simm.s32 $_tile_overlayer_lowered  }
0x9c: {  	s22 =	simm.s32 $0x1BFF;
	s21 =	sshll.u32 s7, $0x1;
	s4 =	sadd.s32 s5, s19  }
0x9d: {  	s8 =	simm.s32 $0x0;
	s20 =	sshll.u32 s6, $0x1;
	s6 =	sadd.s32 s21, s4  }
0x9e: {  	[timem:s8], [sflag:s22] =	dma.local [hbm:s6], s20  }
0x9f: {  	_ =	swait.ge [sflag:s22], s20  }
0xa0: {  	s5 =	ssub.s32 $0x0, s20;
	[sflag:s22] =	ssyncset.done $0x0  }
0xa1: {  	[sflag:s22] =	ssyncadd.s32 s5;
	_ =	sdelay $0x1  }
0xa2: {  	s23 =	simm.s32 $0x1B8B  }
0xa3: {  	_ =	swait.ge [sflag:s23], $0x1  }
0xa4: {  	[sflag:s23] =	ssyncset.done $0x0  }
0xa5: {  	s25 =	simm.s32 $0x1B8E;
	s24 =	sld [smem:$0x3FFE];
	[sflag:s23] =	ssyncadd.s32 $0xFFFFFFFF  }
0xa6: {  	s26 =	simm.s32 $execute0_lowered;
	[smem:$0x3FD2] =	sst s25  }
0xa7: {  	s6 =	sshll.u32 s26, $0x1;
	_ =	strace $0x80000046;
	[dreg:$0x1] =	wrdreg $0xFFFFFFFF  }
0xa8: {  	s28 =	simm.s32 $_size_execute0_lowered;
	s4 =	sadd.s32 s4, s6;
	[dreg:$0x0] =	wrdreg $0x0  }
0xa9: {  	s6 =	sshll.u32 s28, $0x1;
	[dreg:$0x2] =	wrdreg s4  }
0xaa: {  	[dreg:$0x3] =	wrdreg s6  }
0xab: {  	[dreg:$0x4] =	wrdreg $0xC0  }
0xac: {  	_ =	task [dreg:s8], $0x5FFFF  }
0xad: {  	[dreg:$0x1] =	wrdreg $0xFFFFFFFF  }
0xae: {  	[dreg:$0x0] =	wrdreg $0x60  }
0xaf: {  	[dreg:$0x2] =	wrdreg s2  }
0xb0: {  	[dreg:$0x3] =	wrdreg s18  }
0xb1: {  	[dreg:$0x4] =	wrdreg s24  }
0xb2: {  	[dreg:$0x5] =	wrdreg $0x9  }
0xb3: {  	_ =	task.clear_ibuf [dreg:s8], $0x6FFFF;
	_ =	strace $0x90000046  }
0xb4: {  	s29 =	simm.s32 $0x9;
	_ =	strace $0x80000048  }
0xb5: {  	_ =	swait.ge [sflag:s29], $0x1  }
0xb6: {  	[sflag:s29] =	ssyncadd.s32 $0xFFFFFFFF  }
0xb7: {  	_ =	strace $0x90000048  }
0xb8: {  	_ =	sfence  }
0xb9: {  	s30 =	sld [smem:$0x0];
	_ =	sdelay $0x2  }
0xba: {  	s31 =	sshll.u32 s1, $0xD;
	s1 =	sshrl.u32 s1, $0x2  }
0xbb: {  	s3 =	sand.u32 $0x4000, s31;
	s1 =	sadd.s32 s1, s30  }
0xbc: {  	s0 =	sor.u32 s3, s0;
	s1 =	sshll.u32 s1, $0x11  }
0xbd: {  	s0 =	sor.u32 s1, s0  }
0xbe: {  	s0 =	sadd.s32 $0x8F2B, s0  }
0xbf: {  	[sflag:s0] =	ssyncadd.remote.s32 $0x1  }
0xc0: {  	_ =	sfence.sel $0xFFFF  }
0xc1: {  	[dreg:$0x0] =	wrdreg $0xFFFFFFFF;
	(pc) =	sbr.abs _section_cstart, $3  }
0xc2: {  	[dreg:$0x1] =	wrdreg $0xFFFFFFFF  }
0xc3: {  	_ =	task.clear_ibuf [dreg:s8], $0x2FFFF;
	_ =	strace $0x9FFFFFFF  }
0xc4: {  	(tm) =	ssettm $0x7FFFFFFF  }
0xc5: {  	_ =	shalt  }
tec
execute0_lowered:
.L_overlay_start_1:
0x0: {  	(tag) =	ssettag $0x1  }
0x1: {  	s2 =	rddreg [dreg:$0x0]  }
0x2: {  	s4 =	rddreg [dreg:$0x1]  }
0x3: {  	s1 =	srdreg.scid;
	s0 =	stileid.u32  }
0x4: {  	s9 =	rddreg [dreg:$0x2];
	s10 =	sand.u32 $0x1, s1;
	s5 =	sshll.u32 s0, $0x1  }
0x5: {  	s3 =	simm.s32 $0x0;
	s1 =	rddreg [dreg:$0x3];
	s6 =	sor.u32 s10, s5  }
0x6: {  	[smem:$0x7FF] =	sst s3;
	s11 =	sshll.u32 s6, $0x3  }
0x7: {  	_ =	strace $0x80000047;
	s5 =	sadd.s32 s4, s11;
	s4 =	simm.s32 $0x2  }
0x8: {  	[tilespmem:s3], [sflag:$0x2] =	stream.linear.gather [hbm4b:s5+s3], $0x40, $0x38;
	[tilespmem:$0x2100] =	vst v63  }
0x9: {  	_ =	swait.ge [sflag:s4], $0x40  }
0xa: {  	[sflag:s4] =	ssyncset.done $0x0  }
0xb: {  	p1 =	seq.s32 s10, $0x1;
	p0 =	seq.s32 s6, $0x0;
	[sflag:s4] =	ssyncadd.s32 $0xFFFFFFC0  }
0xc: {  	p0 =	por !p0, !p1;
	v1 =	vld [tilespmem:$0x20]  }
0xd: {  	s6 =	simm.s32 $0x1;
	p0 =	por !p0, !p0;
	v2 =	vld [tilespmem:$0x10]  }
0xe: {  	s6 =	simm.s32 @!p0 $0x0;
	v3 =	vld [tilespmem:$0x0]  }
0xf: {  	s6 =	ssub.s32 s0, s6  }
0x10: {  	v4 =	vlaneseq.u32;
	s6 =	sshll.u32 s6, $0x3  }
0x11: {  	v4 =	vmul.u32 $0x81, v4;
	v0 =	vmov s6;
	v5 =	vld [tilespmem:$0x30];
	v6 =	vshll.u32 v1, $0x4  }
0x12: {  	v1 =	vand.u32 $0x7, v1;
	v7 =	vshll.u32 v2, $0x4;
	v2 =	vand.u32 $0x7, v2  }
0x13: {  	v8 =	vshll.u32 v3, $0x4;
	v3 =	vand.u32 $0x7, v3;
	v6 =	vand.u32 $0xFFFFFF80, v6  }
0x14: {  	v1 =	vor.u32 v0, v1;
	v8 =	vand.u32 $0xFFFFFF80, v8;
	v3 =	vor.u32 v0, v3  }
0x15: {  	v7 =	vand.u32 $0xFFFFFF80, v7;
	v2 =	vor.u32 v0, v2;
	v3 =	vadd.s32 v8, v3  }
0x16: {  	v1 =	vadd.s32 v6, v1;
	v6 =	vand.u32 $0x7, v5;
	[tilespmem:$0x0] =	vst v3;
	v3 =	vshll.u32 v5, $0x4  }
0x17: {  	v2 =	vadd.s32 v7, v2;
	[tilespmem:$0x20] =	vst v1;
	v1 =	vand.u32 $0xFFFFFF80, v3;
	v3 =	vor.u32 v0, v6  }
0x18: {  	s12 =	sshll.u32 s10, $0x6;
	[tilespmem:$0x10] =	vst v2;
	v2 =	vadd.s32 v1, v3  }
0x19: {  	s7 =	simm.s32 $0x40;
	s8 =	simm.s32 $0x80;
	s6 =	simm.s32 $0x1;
	v1 =	vor.u32 s12, v4;
	[tilespmem:$0x30] =	vst v2  }
0x1a: {  	[tilespmem:s8], [sflag:$0x1] =	stream.indirect.gather [hbm4b:s2+s7], $0x80, s3, s7, $0xb8;
	[tilespmem:$0x2100] =	vst v63  }
0x1b: {  	_ =	swait.ge [sflag:s6], $0x2000  }
0x1c: {  	[sflag:s6] =	ssyncset.done $0x0  }
0x1d: {  	[sflag:s6] =	ssyncadd.s32 $0xFFFFE000  }
0x1e: {  	s13 =	sor.u32 $0x10, s12;
	v2 =	vor.u32 $0x800, v4;
	v3 =	vld.idx.msk [tilespmem:v1+s8+$0x0], $0xffff  }
0x1f: {  	v2 =	vor.u32 s13, v2;
	_ =	sdelay $0x3  }
0x20: {  	[tilespmem:$0x2080] =	vst v3  }
0x21: {  	s30 =	sor.u32 $0x20, s12;
	v3 =	vor.u32 $0x1000, v4;
	v5 =	vld.idx.msk [tilespmem:v2+s8+$0x0], $0xffff  }
0x22: {  	v3 =	vor.u32 s30, v3;
	_ =	sdelay $0x1  }
0x23: {  	s10 =	ssub.s32 $0x2, s10  }
0x24: {  	s31 =	sshrl.u32 s10, $0x1  }
0x25: {  	s10 =	ssub.s32 s10, s31;
	s12 =	sor.u32 $0x30, s12;
	v4 =	vor.u32 $0x1800, v4;
	[tilespmem:$0x2090] =	vst v5  }
0x26: {  	v4 =	vor.u32 s12, v4;
	s12 =	smax.u32 s10, $0x1;
	v5 =	vld.idx.msk [tilespmem:v3+s8+$0x0], $0xffff  }
0x27: {  	p0 =	sne.s32 s12, $0x1  }
.Ltmp0:
0x28: {  	_ = 	snop;
	(pc) =	sbr.rel @!p0 .LBB2_2-.Ltmp0, $3  }
0x29: {  	_ =	sdelay $0x1  }
0x2a: {  	s9 =	sadd.s32 s11, s9;
	[tilespmem:$0x20A0] =	vst v5  }
0x2b: {  	s9 =	sadd.s32 $0x800, s9;
	s10 =	simm.s32 $0x2080;
	s11 =	sadd.s32 $0xFFFFFFFF, s12;
	v5 =	vld.idx.msk [tilespmem:v4+s8+$0x0], $0xffff  }
.LBB2_1:
0x2c: {  	_ =	sdelay $0x1  }
0x2d: {  	p0 =	sne.s32 s11, $0x1;
	s11 =	sadd.s32 $0xFFFFFFFF, s11;
	_ =	sdelay $0x1  }
0x2e: {  	[tilespmem:$0x20B0] =	vst v5  }
0x2f: {  	[hbm4b:s9+s3] =	stream.linear.scatter [tilespmem:s10], [sflag:$0x2], $0x40, $0x38;
	[tilespmem:$0x2100] =	vst v63  }
0x30: {  	_ =	swait.ge [sflag:s4], $0x40  }
0x31: {  	[sflag:s4] =	ssyncset.done $0x0  }
0x32: {  	[sflag:s4] =	ssyncadd.s32 $0xFFFFFFC0  }
0x33: {  	[tilespmem:s3], [sflag:$0x2] =	stream.linear.gather [hbm4b:s5+s3], $0x40, $0x38;
	[tilespmem:$0x2100] =	vst v63  }
0x34: {  	_ =	swait.ge [sflag:s4], $0x40  }
0x35: {  	[sflag:s4] =	ssyncset.done $0x0  }
0x36: {  	[sflag:s4] =	ssyncadd.s32 $0xFFFFFFC0  }
0x37: {  	v5 =	vld [tilespmem:$0x20]  }
0x38: {  	v6 =	vld [tilespmem:$0x10]  }
0x39: {  	v7 =	vld [tilespmem:$0x0]  }
0x3a: {  	v8 =	vld [tilespmem:$0x30];
	_ =	sdelay $0x1  }
0x3b: {  	v9 =	vshll.u32 v5, $0x4;
	v5 =	vand.u32 $0x7, v5  }
0x3c: {  	v10 =	vshll.u32 v6, $0x4;
	v6 =	vand.u32 $0x7, v6;
	v9 =	vand.u32 $0xFFFFFF80, v9  }
0x3d: {  	v5 =	vor.u32 v0, v5;
	v11 =	vshll.u32 v7, $0x4;
	v7 =	vand.u32 $0x7, v7  }
0x3e: {  	v10 =	vand.u32 $0xFFFFFF80, v10;
	v11 =	vand.u32 $0xFFFFFF80, v11;
	v7 =	vor.u32 v0, v7  }
0x3f: {  	v5 =	vadd.s32 v9, v5;
	v9 =	vand.u32 $0x7, v8;
	v7 =	vadd.s32 v11, v7  }
0x40: {  	v6 =	vor.u32 v0, v6;
	[tilespmem:$0x0] =	vst v7;
	v7 =	vshll.u32 v8, $0x4  }
0x41: {  	v6 =	vadd.s32 v10, v6;
	[tilespmem:$0x20] =	vst v5;
	v5 =	vand.u32 $0xFFFFFF80, v7;
	v7 =	vor.u32 v0, v9  }
0x42: {  	[tilespmem:$0x10] =	vst v6;
	v5 =	vadd.s32 v5, v7  }
0x43: {  	[tilespmem:$0x30] =	vst v5  }
0x44: {  	[tilespmem:s8], [sflag:$0x1] =	stream.indirect.gather [hbm4b:s2+s7], $0x80, s3, s7, $0xb8;
	[tilespmem:$0x2100] =	vst v63  }
0x45: {  	_ =	swait.ge [sflag:s6], $0x2000  }
0x46: {  	[sflag:s6] =	ssyncset.done $0x0  }
0x47: {  	[sflag:s6] =	ssyncadd.s32 $0xFFFFE000  }
0x48: {  	v5 =	vld.idx.msk [tilespmem:v1+s8+$0x0], $0xffff;
	_ =	sdelay $0x5  }
0x49: {  	[tilespmem:$0x2080] =	vst v5  }
0x4a: {  	v5 =	vld.idx.msk [tilespmem:v2+s8+$0x0], $0xffff;
	_ =	sdelay $0x5  }
0x4b: {  	[tilespmem:$0x2090] =	vst v5  }
0x4c: {  	v5 =	vld.idx.msk [tilespmem:v3+s8+$0x0], $0xffff;
	_ =	sdelay $0x2  }
.Ltmp1:
0x4d: {  	(pc) =	sbr.rel @p0 .LBB2_1-.Ltmp1, $3  }
0x4e: {  	_ =	sdelay $0x1  }
0x4f: {  	[tilespmem:$0x20A0] =	vst v5  }
0x50: {  	v5 =	vld.idx.msk [tilespmem:v4+s8+$0x0], $0xffff  }
.LBB2_2:
0x51: {  	_ =	sdelay $0x3  }
0x52: {  	[tilespmem:$0x20B0] =	vst v5  }
0x53: {  	[hbm4b:s9+s3] =	stream.linear.scatter [tilespmem:s10], [sflag:$0x2], $0x40, $0x38;
	[tilespmem:$0x2100] =	vst v63  }
0x54: {  	_ =	swait.ge [sflag:s4], $0x40  }
0x55: {  	[sflag:s4] =	ssyncset.done $0x0  }
0x56: {  	[sflag:s4] =	ssyncadd.s32 $0xFFFFFFC0  }
0x57: {  	_ =	sfence.sel $0x180000  }
0x58: {  	[bflag:$0x0] =	sbarrier.arrive $0xFFFF  }
0x59: {  	p0 =	sne.s32 s0, $0x0;
	_ =	strace $0x90000047  }
0x5a: {  	s0 =	sadd.s32 @!p0 $0x100000, s1;
	[bflag:$0x2] =	sbarrier.arrive $0xFFFF  }
0x5b: {  	[sflag:s0] =	ssyncadd.tile.s32 @!p0 $0x1;
	_ =	shalt  }
.Lfunc_end2:
_tile_overlayer_lowered:
.L_overlay_start_2:
0x5c: {  	(tag) =	ssettag $0x2  }
0x5d: {  	s0 =	rddreg [dreg:$0x0];
	s2 =	stileid.u32  }
0x5e: {  	s1 =	rddreg [dreg:$0x1];
	p0 =	sne.s32 s2, $0x0  }
0x5f: {  	s3 =	rddreg [dreg:$0x2];
	[bflag:$0x3] =	sbarrier.arrive $0xFFFF;
	s2 =	simm.s32 @!p0 $0x1C02  }
0x60: {  	[timem:s3], [sflag:s2] =	dma.local @!p0 [hbm:s0], s1  }
0x61: {  	s0 =	simm.s32 @!p0 $0x2  }
0x62: {  	_ =	swait.ge @!p0 [sflag:s0], s1  }
0x63: {  	s1 =	ssub.s32 @!p0 $0x0, s1;
	[sflag:s0] =	ssyncset.done @!p0 $0x0  }
0x64: {  	[sflag:s0] =	ssyncadd.s32 @!p0 s1  }
0x65: {  	[bflag:$0x3] =	sbarrier.arrive $0xFFFF  }
0x66: {  	_ =	shalt  }

</sc_bundles>
